<compile_context>
chip_gen: v7x
topology: tpu7x:2x2x1
jax: 0.10.2.dev20260603
libtpu: 0.0.44.dev20260713+nightly
codegen_flags: <defaults>
</compile_context>

<pallas_src>
import jax
import jax.numpy as jnp
from jax import lax
from jax.experimental import pallas as pl
from jax.experimental.pallas import tpu as pltpu
from jax.experimental.pallas import tpu_sc as plsc

_M, _N = 4096, 8192
_NW = 32
_RPW = _M // _NW
_CR = 2
_NCH = _RPW // _CR
_L = 16

_mesh = plsc.VectorSubcoreMesh(
    core_axis_name="c", subcore_axis_name="s", num_cores=2, num_subcores=16
)


def _sc_body(x_hbm, consts_hbm, out_hbm, cv, in0, in1, out0, out1,
             si0, si1, so0, so1):
    wid = lax.axis_index("s") * 2 + lax.axis_index("c")
    base = pl.multiple_of(wid * _RPW, _RPW)

    pltpu.sync_copy(consts_hbm, cv)
    l0 = cv[pl.ds(0, _L)]
    l1 = cv[pl.ds(_L, _L)]
    thr = cv[pl.ds(2 * _L, _L)]

    def start_in(c, buf, sem):
        r = pl.multiple_of(base + c * _CR, _CR)
        pltpu.async_copy(x_hbm.at[pl.ds(r, _CR)], buf, sem)

    def wait_in(buf, sem):
        pltpu.make_async_copy(x_hbm.at[pl.ds(base, _CR)], buf, sem).wait()

    def start_out(c, buf, sem):
        r = pl.multiple_of(base + c * _CR, _CR)
        pltpu.async_copy(buf, out_hbm.at[pl.ds(r, _CR)], sem)

    def wait_out(buf, sem):
        pltpu.make_async_copy(buf, out_hbm.at[pl.ds(base, _CR)], sem).wait()

    def compute(src, dst):
        @plsc.parallel_loop(0, _N, _L, unroll=8)
        def _(i):
            for r in range(_CR):
                v = src[r, pl.ds(i, _L)]
                dst[r, pl.ds(i, _L)] = jnp.where(v > thr, l1, l0)

    start_in(0, in0, si0)
    start_in(1, in1, si1)

    def body(h, carry):
        c0 = 2 * h
        wait_in(in0, si0)

        @pl.when(h > 0)
        def _():
            wait_out(out0, so0)

        compute(in0, out0)

        @pl.when(h < _NCH // 2 - 1)
        def _():
            start_in(c0 + 2, in0, si0)

        start_out(c0, out0, so0)

        wait_in(in1, si1)

        @pl.when(h > 0)
        def _():
            wait_out(out1, so1)

        compute(in1, out1)

        @pl.when(h < _NCH // 2 - 1)
        def _():
            start_in(c0 + 3, in1, si1)

        start_out(c0 + 1, out1, so1)
        return carry

    lax.fori_loop(0, _NCH // 2, body, 0)
    wait_out(out0, so0)
    wait_out(out1, so1)


_sc_call = pl.kernel(
    _sc_body,
    out_type=jax.ShapeDtypeStruct((_M, _N), jnp.float32),
    mesh=_mesh,
    scratch_types=[
        pltpu.VMEM((3 * _L,), jnp.float32),
        pltpu.VMEM((_CR, _N), jnp.float32),
        pltpu.VMEM((_CR, _N), jnp.float32),
        pltpu.VMEM((_CR, _N), jnp.float32),
        pltpu.VMEM((_CR, _N), jnp.float32),
        pltpu.SemaphoreType.DMA,
        pltpu.SemaphoreType.DMA,
        pltpu.SemaphoreType.DMA,
        pltpu.SemaphoreType.DMA,
    ],
)


def kernel(x, levels):
    l0 = levels[0]
    l1 = levels[1]
    thr = (l0 + l1) * 0.5
    consts = jnp.concatenate(
        [jnp.full((_L,), l0), jnp.full((_L,), l1), jnp.full((_L,), thr)]
    )
    return _sc_call(x, consts)

# --- scband reference (transcript-rebuilt; emitter-appended) ---
"""Pipeline reference for scband-discrete-quantizer-39359080300976 (READ-ONLY COPY).

The authoritative reference and input builder live on the scoring server;
editing this copy changes nothing except your own understanding.
"""

import jax, jax.numpy as jnp
import numpy as np

N_LEVELS = 2

def setup_inputs(seed: int = 0) -> dict:
    key = jax.random.key(seed)
    x = jax.random.normal(key, (4096, 8192), dtype=jnp.float32)
    levels = jnp.array([-1.0, 1.0], dtype=jnp.float32)
    return {"x": x, "levels": levels}

def reference(x, levels):
    # Faithful translation of DiscreteQuantizer.forward (hard=True path):
    # quantized starts at zeros; sequential masked overwrites per level.
    quantized = jnp.zeros_like(x)
    mask0 = x <= (levels[0] + levels[1]) / 2
    quantized = jnp.where(mask0, levels[0], quantized)
    for i in range(1, N_LEVELS):
        mask = x > (levels[i - 1] + levels[i]) / 2
        quantized = jnp.where(mask, levels[i], quantized)
    return quantized

if __name__ == "__main__":
    import jax
    _d = setup_inputs()
    print(jax.jit(kernel)(*tuple(_d.values())))

</pallas_src>

<mosaic_0001>
#map = affine_map<(d0, d1) -> (0, 0)>
#map1 = affine_map<(d0, d1) -> (0)>
module attributes {stable_mosaic.version = 14 : i64} {
  func.func @_sc_body(%arg0: i32, %arg1: i32, %arg2: memref<4096x8192xf32, #tpu.memory_space<hbm>>, %arg3: memref<48xf32, #tpu.memory_space<hbm>>, %arg4: memref<4096x8192xf32, #tpu.memory_space<hbm>>, %arg5: memref<48xf32, #tpu.memory_space<vmem>>, %arg6: memref<2x8192xf32, #tpu.memory_space<vmem>>, %arg7: memref<2x8192xf32, #tpu.memory_space<vmem>>, %arg8: memref<2x8192xf32, #tpu.memory_space<vmem>>, %arg9: memref<2x8192xf32, #tpu.memory_space<vmem>>, %arg10: memref<!tpu.dma_semaphore, #tpu.memory_space<semaphore_mem>>, %arg11: memref<!tpu.dma_semaphore, #tpu.memory_space<semaphore_mem>>, %arg12: memref<!tpu.dma_semaphore, #tpu.memory_space<semaphore_mem>>, %arg13: memref<!tpu.dma_semaphore, #tpu.memory_space<semaphore_mem>>) attributes {dimension_semantics = [#tpu.dimension_semantics<core_parallel>, #tpu.dimension_semantics<subcore_parallel>], iteration_bounds = array<i64: 2, 16>, scalar_prefetch = 0 : i64, scratch_operands = 9 : i64, tpu.core_type = #tpu.core_type<sc_vector_subcore>, window_params = [{transform_indices = #map}, {transform_indices = #map1}, {transform_indices = #map}]} {
    %mul3A = arith.constant 2 : i32
    %mul3A_0 = arith.muli %arg1, %mul3A : i32
    %add3A = arith.addi %mul3A_0, %arg0 : i32
    %mul3A_1 = arith.constant 128 : i32
    %mul3A_2 = arith.muli %add3A, %mul3A_1 : i32
    %multiple_of3A = tpu.assume_multiple %mul3A_2, 128 : i32
    "tpu.region"() ({
      %run_scoped3A = tpu.sem_alloc : memref<!tpu.dma_semaphore, #tpu.memory_space<semaphore_mem>>
      tpu.enqueue_dma source(%arg3 : memref<48xf32, #tpu.memory_space<hbm>>) target(%arg5 : memref<48xf32, #tpu.memory_space<vmem>>) target_semaphore(%run_scoped3A : memref<!tpu.dma_semaphore, #tpu.memory_space<semaphore_mem>>)
      tpu.wait_dma2 semaphore(%run_scoped3A : memref<!tpu.dma_semaphore, #tpu.memory_space<semaphore_mem>>) src(%arg3 : memref<48xf32, #tpu.memory_space<hbm>>) dst(%arg5 : memref<48xf32, #tpu.memory_space<vmem>>)
      tpu.yield
    }) : () -> ()
    %get3A = arith.constant 0 : index
    %get3A_3 = tpu.vector_load %arg5[%get3A] {strides = array<i32>} : memref<48xf32, #tpu.memory_space<vmem>>, vector<16xf32>,
    %get3A_4 = vector.shape_cast %get3A_3 : vector<16xf32> to vector<16xf32>
    %get3A_5 = arith.constant 16 : index
    %get3A_6 = tpu.vector_load %arg5[%get3A_5] {strides = array<i32>} : memref<48xf32, #tpu.memory_space<vmem>>, vector<16xf32>,
    %get3A_7 = vector.shape_cast %get3A_6 : vector<16xf32> to vector<16xf32>
    %get3A_8 = arith.constant 32 : index
    %get3A_9 = tpu.vector_load %arg5[%get3A_8] {strides = array<i32>} : memref<48xf32, #tpu.memory_space<vmem>>, vector<16xf32>,
    %get3A_10 = vector.shape_cast %get3A_9 : vector<16xf32> to vector<16xf32>
    %add3A_11 = arith.constant 0 : i32
    %add3A_12 = arith.addi %multiple_of3A, %add3A_11 : i32
    %multiple_of3A_13 = tpu.assume_multiple %add3A_12, 2 : i32
    %dma_start3A = arith.constant 0 : i32
    %dma_start3A_14 = tpu.memref_slice %arg2[%multiple_of3A_13, %dma_start3A] : memref<4096x8192xf32, #tpu.memory_space<hbm>> -> memref<2x8192xf32, #tpu.memory_space<hbm>>
    %dma_start3A_15 = arith.constant 0 : i32
    %dma_start3A_16 = tpu.memref_slice %arg2[%multiple_of3A_13, %dma_start3A_15] : memref<4096x8192xf32, #tpu.memory_space<hbm>> -> memref<2x8192xf32, #tpu.memory_space<hbm>>
    tpu.enqueue_dma source(%dma_start3A_16 : memref<2x8192xf32, #tpu.memory_space<hbm>>) target(%arg6 : memref<2x8192xf32, #tpu.memory_space<vmem>>) target_semaphore(%arg10 : memref<!tpu.dma_semaphore, #tpu.memory_space<semaphore_mem>>)
    %add3A_17 = arith.constant 2 : i32
    %add3A_18 = arith.addi %multiple_of3A, %add3A_17 : i32
    %multiple_of3A_19 = tpu.assume_multiple %add3A_18, 2 : i32
    %dma_start3A_20 = arith.constant 0 : i32
    %dma_start3A_21 = tpu.memref_slice %arg2[%multiple_of3A_19, %dma_start3A_20] : memref<4096x8192xf32, #tpu.memory_space<hbm>> -> memref<2x8192xf32, #tpu.memory_space<hbm>>
    %dma_start3A_22 = arith.constant 0 : i32
    %dma_start3A_23 = tpu.memref_slice %arg2[%multiple_of3A_19, %dma_start3A_22] : memref<4096x8192xf32, #tpu.memory_space<hbm>> -> memref<2x8192xf32, #tpu.memory_space<hbm>>
    tpu.enqueue_dma source(%dma_start3A_23 : memref<2x8192xf32, #tpu.memory_space<hbm>>) target(%arg7 : memref<2x8192xf32, #tpu.memory_space<vmem>>) target_semaphore(%arg11 : memref<!tpu.dma_semaphore, #tpu.memory_space<semaphore_mem>>)
    %scan3A = arith.constant 0 : i32
    %scan3A_24 = arith.constant 0 : i32
    %scan3A_25 = arith.constant 32 : i32
    %scan3A_26 = arith.addi %scan3A_24, %scan3A_25 : i32
    %scan3A_27 = arith.constant 1 : i32
    scf.for %scan3A_36 = %scan3A_24 to %scan3A_26 step %scan3A_27  : i32 {
      %mul3A_37 = arith.constant 2 : i32
      %mul3A_38 = arith.muli %mul3A_37, %scan3A_36 : i32
      %dma_wait3A_39 = arith.constant 0 : i32
      %dma_wait3A_40 = tpu.memref_slice %arg2[%multiple_of3A, %dma_wait3A_39] : memref<4096x8192xf32, #tpu.memory_space<hbm>> -> memref<2x8192xf32, #tpu.memory_space<hbm>>
      %dma_wait3A_41 = arith.constant 0 : i32
      %dma_wait3A_42 = tpu.memref_slice %arg2[%multiple_of3A, %dma_wait3A_41] : memref<4096x8192xf32, #tpu.memory_space<hbm>> -> memref<2x8192xf32, #tpu.memory_space<hbm>>
      tpu.wait_dma2 semaphore(%arg10 : memref<!tpu.dma_semaphore, #tpu.memory_space<semaphore_mem>>) src(%dma_wait3A_42 : memref<2x8192xf32, #tpu.memory_space<hbm>>) dst(%arg6 : memref<2x8192xf32, #tpu.memory_space<vmem>>)
      %gt3A = arith.constant 0 : i32
      %gt3A_43 = arith.cmpi sgt, %scan3A_36, %gt3A : i32
      %convert_element_type3A = arith.extui %gt3A_43 : i1 to i32
      %cond3A = arith.constant 0 : i32
      %cond3A_44 = arith.cmpi ne, %convert_element_type3A, %cond3A : i32
      scf.if %cond3A_44 {
        %dma_wait3A_86 = arith.constant 0 : i32
        %dma_wait3A_87 = tpu.memref_slice %arg4[%multiple_of3A, %dma_wait3A_86] : memref<4096x8192xf32, #tpu.memory_space<hbm>> -> memref<2x8192xf32, #tpu.memory_space<hbm>>
        %dma_wait3A_88 = arith.constant 0 : i32
        %dma_wait3A_89 = tpu.memref_slice %arg4[%multiple_of3A, %dma_wait3A_88] : memref<4096x8192xf32, #tpu.memory_space<hbm>> -> memref<2x8192xf32, #tpu.memory_space<hbm>>
        tpu.wait_dma2 semaphore(%arg12 : memref<!tpu.dma_semaphore, #tpu.memory_space<semaphore_mem>>) src(%arg8 : memref<2x8192xf32, #tpu.memory_space<vmem>>) dst(%dma_wait3A_89 : memref<2x8192xf32, #tpu.memory_space<hbm>>)
      } else {
      }
      %parallel_loop3A = arith.constant 0 : i32
      %parallel_loop3A_45 = arith.constant 8192 : i32
      %parallel_loop3A_46 = arith.constant 16 : i32
      scf.for %parallel_loop3A_86 = %parallel_loop3A to %parallel_loop3A_45 step %parallel_loop3A_46  : i32 {
        %parallel_loop3A_87 = arith.constant 0 : i32
        %parallel_loop3A_88 = arith.index_cast %parallel_loop3A_87 : i32 to index
        %parallel_loop3A_89 = arith.index_cast %parallel_loop3A_86 : i32 to index
        %parallel_loop3A_90 = tpu.vector_load %arg6[%parallel_loop3A_88, %parallel_loop3A_89] {strides = array<i32>} : memref<2x8192xf32, #tpu.memory_space<vmem>>, vector<1x16xf32>,
        %parallel_loop3A_91 = vector.shape_cast %parallel_loop3A_90 : vector<1x16xf32> to vector<16xf32>
        %parallel_loop3A_92 = arith.cmpf ogt, %parallel_loop3A_91, %get3A_10 : vector<16xf32>
        %parallel_loop3A_93 = arith.select %parallel_loop3A_92, %get3A_7, %get3A_4 : vector<16xi1>, vector<16xf32>
        %parallel_loop3A_94 = arith.constant 0 : i32
        %parallel_loop3A_95 = arith.index_cast %parallel_loop3A_94 : i32 to index
        %parallel_loop3A_96 = arith.index_cast %parallel_loop3A_86 : i32 to index
        %parallel_loop3A_97 = tpu.vector_load %arg8[%parallel_loop3A_95, %parallel_loop3A_96] {strides = array<i32>} : memref<2x8192xf32, #tpu.memory_space<vmem>>, vector<1x16xf32>,
        %parallel_loop3A_98 = vector.shape_cast %parallel_loop3A_97 : vector<1x16xf32> to vector<16xf32>
        %parallel_loop3A_99 = vector.shape_cast %parallel_loop3A_93 : vector<16xf32> to vector<1x16xf32>
        tpu.vector_store %arg8[%parallel_loop3A_95, %parallel_loop3A_96], %parallel_loop3A_99 {strides = array<i32>} : memref<2x8192xf32, #tpu.memory_space<vmem>>, vector<1x16xf32>,
        %parallel_loop3A_100 = arith.constant 1 : i32
        %parallel_loop3A_101 = arith.index_cast %parallel_loop3A_100 : i32 to index
        %parallel_loop3A_102 = arith.index_cast %parallel_loop3A_86 : i32 to index
        %parallel_loop3A_103 = tpu.vector_load %arg6[%parallel_loop3A_101, %parallel_loop3A_102] {strides = array<i32>} : memref<2x8192xf32, #tpu.memory_space<vmem>>, vector<1x16xf32>,
        %parallel_loop3A_104 = vector.shape_cast %parallel_loop3A_103 : vector<1x16xf32> to vector<16xf32>
        %parallel_loop3A_105 = arith.cmpf ogt, %parallel_loop3A_104, %get3A_10 : vector<16xf32>
        %parallel_loop3A_106 = arith.select %parallel_loop3A_105, %get3A_7, %get3A_4 : vector<16xi1>, vector<16xf32>
        %parallel_loop3A_107 = arith.constant 1 : i32
        %parallel_loop3A_108 = arith.index_cast %parallel_loop3A_107 : i32 to index
        %parallel_loop3A_109 = arith.index_cast %parallel_loop3A_86 : i32 to index
        %parallel_loop3A_110 = tpu.vector_load %arg8[%parallel_loop3A_108, %parallel_loop3A_109] {strides = array<i32>} : memref<2x8192xf32, #tpu.memory_space<vmem>>, vector<1x16xf32>,
        %parallel_loop3A_111 = vector.shape_cast %parallel_loop3A_110 : vector<1x16xf32> to vector<16xf32>
        %parallel_loop3A_112 = vector.shape_cast %parallel_loop3A_106 : vector<16xf32> to vector<1x16xf32>
        tpu.vector_store %arg8[%parallel_loop3A_108, %parallel_loop3A_109], %parallel_loop3A_112 {strides = array<i32>} : memref<2x8192xf32, #tpu.memory_space<vmem>>, vector<1x16xf32>,
      } {sc.loop_unroll_factor = 8 : i64, sc.parallel_access}
      %lt3A = arith.constant 31 : i32
      %lt3A_47 = arith.cmpi slt, %scan3A_36, %lt3A : i32
      %convert_element_type3A_48 = arith.extui %lt3A_47 : i1 to i32
      %cond3A_49 = arith.constant 0 : i32
      %cond3A_50 = arith.cmpi ne, %convert_element_type3A_48, %cond3A_49 : i32
      scf.if %cond3A_50 {
        %add3A_86 = arith.constant 2 : i32
        %add3A_87 = arith.addi %mul3A_38, %add3A_86 : i32
        %mul3A_88 = arith.constant 2 : i32
        %mul3A_89 = arith.muli %add3A_87, %mul3A_88 : i32
        %add3A_90 = arith.addi %multiple_of3A, %mul3A_89 : i32
        %multiple_of3A_91 = tpu.assume_multiple %add3A_90, 2 : i32
        %dma_start3A_92 = arith.constant 0 : i32
        %dma_start3A_93 = tpu.memref_slice %arg2[%multiple_of3A_91, %dma_start3A_92] : memref<4096x8192xf32, #tpu.memory_space<hbm>> -> memref<2x8192xf32, #tpu.memory_space<hbm>>
        %dma_start3A_94 = arith.constant 0 : i32
        %dma_start3A_95 = tpu.memref_slice %arg2[%multiple_of3A_91, %dma_start3A_94] : memref<4096x8192xf32, #tpu.memory_space<hbm>> -> memref<2x8192xf32, #tpu.memory_space<hbm>>
        tpu.enqueue_dma source(%dma_start3A_95 : memref<2x8192xf32, #tpu.memory_space<hbm>>) target(%arg6 : memref<2x8192xf32, #tpu.memory_space<vmem>>) target_semaphore(%arg10 : memref<!tpu.dma_semaphore, #tpu.memory_space<semaphore_mem>>)
      } else {
      }
      %mul3A_51 = arith.constant 2 : i32
      %mul3A_52 = arith.muli %mul3A_38, %mul3A_51 : i32
      %add3A_53 = arith.addi %multiple_of3A, %mul3A_52 : i32
      %multiple_of3A_54 = tpu.assume_multiple %add3A_53, 2 : i32
      %dma_start3A_55 = arith.constant 0 : i32
      %dma_start3A_56 = tpu.memref_slice %arg4[%multiple_of3A_54, %dma_start3A_55] : memref<4096x8192xf32, #tpu.memory_space<hbm>> -> memref<2x8192xf32, #tpu.memory_space<hbm>>
      %dma_start3A_57 = arith.constant 0 : i32
      %dma_start3A_58 = tpu.memref_slice %arg4[%multiple_of3A_54, %dma_start3A_57] : memref<4096x8192xf32, #tpu.memory_space<hbm>> -> memref<2x8192xf32, #tpu.memory_space<hbm>>
      tpu.enqueue_dma source(%arg8 : memref<2x8192xf32, #tpu.memory_space<vmem>>) target(%dma_start3A_58 : memref<2x8192xf32, #tpu.memory_space<hbm>>) target_semaphore(%arg12 : memref<!tpu.dma_semaphore, #tpu.memory_space<semaphore_mem>>)
      %dma_wait3A_59 = arith.constant 0 : i32
      %dma_wait3A_60 = tpu.memref_slice %arg2[%multiple_of3A, %dma_wait3A_59] : memref<4096x8192xf32, #tpu.memory_space<hbm>> -> memref<2x8192xf32, #tpu.memory_space<hbm>>
      %dma_wait3A_61 = arith.constant 0 : i32
      %dma_wait3A_62 = tpu.memref_slice %arg2[%multiple_of3A, %dma_wait3A_61] : memref<4096x8192xf32, #tpu.memory_space<hbm>> -> memref<2x8192xf32, #tpu.memory_space<hbm>>
      tpu.wait_dma2 semaphore(%arg11 : memref<!tpu.dma_semaphore, #tpu.memory_space<semaphore_mem>>) src(%dma_wait3A_62 : memref<2x8192xf32, #tpu.memory_space<hbm>>) dst(%arg7 : memref<2x8192xf32, #tpu.memory_space<vmem>>)
      %gt3A_63 = arith.constant 0 : i32
      %gt3A_64 = arith.cmpi sgt, %scan3A_36, %gt3A_63 : i32
      %convert_element_type3A_65 = arith.extui %gt3A_64 : i1 to i32
      %cond3A_66 = arith.constant 0 : i32
      %cond3A_67 = arith.cmpi ne, %convert_element_type3A_65, %cond3A_66 : i32
      scf.if %cond3A_67 {
        %dma_wait3A_86 = arith.constant 0 : i32
        %dma_wait3A_87 = tpu.memref_slice %arg4[%multiple_of3A, %dma_wait3A_86] : memref<4096x8192xf32, #tpu.memory_space<hbm>> -> memref<2x8192xf32, #tpu.memory_space<hbm>>
        %dma_wait3A_88 = arith.constant 0 : i32
        %dma_wait3A_89 = tpu.memref_slice %arg4[%multiple_of3A, %dma_wait3A_88] : memref<4096x8192xf32, #tpu.memory_space<hbm>> -> memref<2x8192xf32, #tpu.memory_space<hbm>>
        tpu.wait_dma2 semaphore(%arg13 : memref<!tpu.dma_semaphore, #tpu.memory_space<semaphore_mem>>) src(%arg9 : memref<2x8192xf32, #tpu.memory_space<vmem>>) dst(%dma_wait3A_89 : memref<2x8192xf32, #tpu.memory_space<hbm>>)
      } else {
      }
      %parallel_loop3A_68 = arith.constant 0 : i32
      %parallel_loop3A_69 = arith.constant 8192 : i32
      %parallel_loop3A_70 = arith.constant 16 : i32
      scf.for %parallel_loop3A_86 = %parallel_loop3A_68 to %parallel_loop3A_69 step %parallel_loop3A_70  : i32 {
        %parallel_loop3A_87 = arith.constant 0 : i32
        %parallel_loop3A_88 = arith.index_cast %parallel_loop3A_87 : i32 to index
        %parallel_loop3A_89 = arith.index_cast %parallel_loop3A_86 : i32 to index
        %parallel_loop3A_90 = tpu.vector_load %arg7[%parallel_loop3A_88, %parallel_loop3A_89] {strides = array<i32>} : memref<2x8192xf32, #tpu.memory_space<vmem>>, vector<1x16xf32>,
        %parallel_loop3A_91 = vector.shape_cast %parallel_loop3A_90 : vector<1x16xf32> to vector<16xf32>
        %parallel_loop3A_92 = arith.cmpf ogt, %parallel_loop3A_91, %get3A_10 : vector<16xf32>
        %parallel_loop3A_93 = arith.select %parallel_loop3A_92, %get3A_7, %get3A_4 : vector<16xi1>, vector<16xf32>
        %parallel_loop3A_94 = arith.constant 0 : i32
        %parallel_loop3A_95 = arith.index_cast %parallel_loop3A_94 : i32 to index
        %parallel_loop3A_96 = arith.index_cast %parallel_loop3A_86 : i32 to index
        %parallel_loop3A_97 = tpu.vector_load %arg9[%parallel_loop3A_95, %parallel_loop3A_96] {strides = array<i32>} : memref<2x8192xf32, #tpu.memory_space<vmem>>, vector<1x16xf32>,
        %parallel_loop3A_98 = vector.shape_cast %parallel_loop3A_97 : vector<1x16xf32> to vector<16xf32>
        %parallel_loop3A_99 = vector.shape_cast %parallel_loop3A_93 : vector<16xf32> to vector<1x16xf32>
        tpu.vector_store %arg9[%parallel_loop3A_95, %parallel_loop3A_96], %parallel_loop3A_99 {strides = array<i32>} : memref<2x8192xf32, #tpu.memory_space<vmem>>, vector<1x16xf32>,
        %parallel_loop3A_100 = arith.constant 1 : i32
        %parallel_loop3A_101 = arith.index_cast %parallel_loop3A_100 : i32 to index
        %parallel_loop3A_102 = arith.index_cast %parallel_loop3A_86 : i32 to index
        %parallel_loop3A_103 = tpu.vector_load %arg7[%parallel_loop3A_101, %parallel_loop3A_102] {strides = array<i32>} : memref<2x8192xf32, #tpu.memory_space<vmem>>, vector<1x16xf32>,
        %parallel_loop3A_104 = vector.shape_cast %parallel_loop3A_103 : vector<1x16xf32> to vector<16xf32>
        %parallel_loop3A_105 = arith.cmpf ogt, %parallel_loop3A_104, %get3A_10 : vector<16xf32>
        %parallel_loop3A_106 = arith.select %parallel_loop3A_105, %get3A_7, %get3A_4 : vector<16xi1>, vector<16xf32>
        %parallel_loop3A_107 = arith.constant 1 : i32
        %parallel_loop3A_108 = arith.index_cast %parallel_loop3A_107 : i32 to index
        %parallel_loop3A_109 = arith.index_cast %parallel_loop3A_86 : i32 to index
        %parallel_loop3A_110 = tpu.vector_load %arg9[%parallel_loop3A_108, %parallel_loop3A_109] {strides = array<i32>} : memref<2x8192xf32, #tpu.memory_space<vmem>>, vector<1x16xf32>,
        %parallel_loop3A_111 = vector.shape_cast %parallel_loop3A_110 : vector<1x16xf32> to vector<16xf32>
        %parallel_loop3A_112 = vector.shape_cast %parallel_loop3A_106 : vector<16xf32> to vector<1x16xf32>
        tpu.vector_store %arg9[%parallel_loop3A_108, %parallel_loop3A_109], %parallel_loop3A_112 {strides = array<i32>} : memref<2x8192xf32, #tpu.memory_space<vmem>>, vector<1x16xf32>,
      } {sc.loop_unroll_factor = 8 : i64, sc.parallel_access}
      %lt3A_71 = arith.constant 31 : i32
      %lt3A_72 = arith.cmpi slt, %scan3A_36, %lt3A_71 : i32
      %convert_element_type3A_73 = arith.extui %lt3A_72 : i1 to i32
      %cond3A_74 = arith.constant 0 : i32
      %cond3A_75 = arith.cmpi ne, %convert_element_type3A_73, %cond3A_74 : i32
      scf.if %cond3A_75 {
        %add3A_86 = arith.constant 3 : i32
        %add3A_87 = arith.addi %mul3A_38, %add3A_86 : i32
        %mul3A_88 = arith.constant 2 : i32
        %mul3A_89 = arith.muli %add3A_87, %mul3A_88 : i32
        %add3A_90 = arith.addi %multiple_of3A, %mul3A_89 : i32
        %multiple_of3A_91 = tpu.assume_multiple %add3A_90, 2 : i32
        %dma_start3A_92 = arith.constant 0 : i32
        %dma_start3A_93 = tpu.memref_slice %arg2[%multiple_of3A_91, %dma_start3A_92] : memref<4096x8192xf32, #tpu.memory_space<hbm>> -> memref<2x8192xf32, #tpu.memory_space<hbm>>
        %dma_start3A_94 = arith.constant 0 : i32
        %dma_start3A_95 = tpu.memref_slice %arg2[%multiple_of3A_91, %dma_start3A_94] : memref<4096x8192xf32, #tpu.memory_space<hbm>> -> memref<2x8192xf32, #tpu.memory_space<hbm>>
        tpu.enqueue_dma source(%dma_start3A_95 : memref<2x8192xf32, #tpu.memory_space<hbm>>) target(%arg7 : memref<2x8192xf32, #tpu.memory_space<vmem>>) target_semaphore(%arg11 : memref<!tpu.dma_semaphore, #tpu.memory_space<semaphore_mem>>)
      } else {
      }
      %add3A_76 = arith.constant 1 : i32
      %add3A_77 = arith.addi %mul3A_38, %add3A_76 : i32
      %mul3A_78 = arith.constant 2 : i32
      %mul3A_79 = arith.muli %add3A_77, %mul3A_78 : i32
      %add3A_80 = arith.addi %multiple_of3A, %mul3A_79 : i32
      %multiple_of3A_81 = tpu.assume_multiple %add3A_80, 2 : i32
      %dma_start3A_82 = arith.constant 0 : i32
      %dma_start3A_83 = tpu.memref_slice %arg4[%multiple_of3A_81, %dma_start3A_82] : memref<4096x8192xf32, #tpu.memory_space<hbm>> -> memref<2x8192xf32, #tpu.memory_space<hbm>>
      %dma_start3A_84 = arith.constant 0 : i32
      %dma_start3A_85 = tpu.memref_slice %arg4[%multiple_of3A_81, %dma_start3A_84] : memref<4096x8192xf32, #tpu.memory_space<hbm>> -> memref<2x8192xf32, #tpu.memory_space<hbm>>
      tpu.enqueue_dma source(%arg9 : memref<2x8192xf32, #tpu.memory_space<vmem>>) target(%dma_start3A_85 : memref<2x8192xf32, #tpu.memory_space<hbm>>) target_semaphore(%arg13 : memref<!tpu.dma_semaphore, #tpu.memory_space<semaphore_mem>>)
    }
    %scan3A_28 = arith.constant 32 : i32
    %dma_wait3A = arith.constant 0 : i32
    %dma_wait3A_29 = tpu.memref_slice %arg4[%multiple_of3A, %dma_wait3A] : memref<4096x8192xf32, #tpu.memory_space<hbm>> -> memref<2x8192xf32, #tpu.memory_space<hbm>>
    %dma_wait3A_30 = arith.constant 0 : i32
    %dma_wait3A_31 = tpu.memref_slice %arg4[%multiple_of3A, %dma_wait3A_30] : memref<4096x8192xf32, #tpu.memory_space<hbm>> -> memref<2x8192xf32, #tpu.memory_space<hbm>>
    tpu.wait_dma2 semaphore(%arg12 : memref<!tpu.dma_semaphore, #tpu.memory_space<semaphore_mem>>) src(%arg8 : memref<2x8192xf32, #tpu.memory_space<vmem>>) dst(%dma_wait3A_31 : memref<2x8192xf32, #tpu.memory_space<hbm>>)
    %dma_wait3A_32 = arith.constant 0 : i32
    %dma_wait3A_33 = tpu.memref_slice %arg4[%multiple_of3A, %dma_wait3A_32] : memref<4096x8192xf32, #tpu.memory_space<hbm>> -> memref<2x8192xf32, #tpu.memory_space<hbm>>
    %dma_wait3A_34 = arith.constant 0 : i32
    %dma_wait3A_35 = tpu.memref_slice %arg4[%multiple_of3A, %dma_wait3A_34] : memref<4096x8192xf32, #tpu.memory_space<hbm>> -> memref<2x8192xf32, #tpu.memory_space<hbm>>
    tpu.wait_dma2 semaphore(%arg13 : memref<!tpu.dma_semaphore, #tpu.memory_space<semaphore_mem>>) src(%arg9 : memref<2x8192xf32, #tpu.memory_space<vmem>>) dst(%dma_wait3A_35 : memref<2x8192xf32, #tpu.memory_space<hbm>>)
    return
  }
}

</mosaic_0001>

<sc_bundles>
// kernel: kernel.3.cloned.1.call-start
scs
__scs_entry_jumppad:
0x0: {  	(pc) =	sbr.rel $0x88, $3  }
0x1: {  	(tag) =	ssettag $0x0;
	lr =	simm.s32 $0x1  }
0x2: {  	[smem:$0x3F9F] =	sst lr;
	_ =	strace $0xD0000000  }
0x3: {  	_ = 	snop  }
0x4: {  	_ = 	snop  }
0x5: {  	_ = 	snop  }
0x6: {  	_ = 	snop  }
0x7: {  	_ = 	snop  }
__scs_overlays_trampoline_lowered:
0x8: {  	[smem:$0x3FAE] =	sst s0  }
0x9: {  	[smem:$0x3FAF] =	sst s1  }
0xa: {  	[smem:$0x3FB0] =	sst s2  }
0xb: {  	[smem:$0x3FB1] =	sst s3  }
0xc: {  	[smem:$0x3FB2] =	sst s4  }
0xd: {  	[smem:$0x3FB3] =	sst s5  }
0xe: {  	[smem:$0x3FB4] =	sst s6  }
0xf: {  	[smem:$0x3FB5] =	sst s7  }
0x10: {  	[smem:$0x3FB6] =	sst s8  }
0x11: {  	[smem:$0x3FB7] =	sst s9;
	s0 =	simm.s32 @!p0 $0x0  }
0x12: {  	s1 =	sld [smem:$0x3F9D];
	s0 =	simm.s32 @p0 $0x1  }
0x13: {  	[smem:$0x3FB8] =	sst s0;
	s0 =	simm.s32 @!p1 $0x0  }
0x14: {  	s2 =	sld [smem:$0x3F9C];
	s0 =	simm.s32 @p1 $0x1  }
0x15: {  	[smem:$0x3FB9] =	sst s0;
	s0 =	simm.s32 @!p2 $0x0  }
0x16: {  	s3 =	sld [smem:$0x3FDB];
	s0 =	simm.s32 @p2 $0x1  }
0x17: {  	s4 =	simm.s32 $0x1BF5;
	[smem:$0x3FBB] =	sst s0  }
0x18: {  	s0 =	sld [smem:$0x3F9E];
	_ =	swait.ge [sflag:s4], $0x0  }
0x19: {  	s7 =	sld [smem:$0x3F9F]  }
0x1a: {  	s8 =	sadd.s32 $0xFFFFE003, lr  }
0x1b: {  	s9 =	sadd.s32 $0xFFFFFEF7, lr;
	s5 =	simm.s32 $0xFFFFFFFF;
	p2 =	slt.u32 s8, $0xFFFFF086  }
0x1c: {  	p1 =	slt.u32 s9, $0xF7A;
	s5 =	simm.s32 @!p2 $0x0  }
0x1d: {  	s5 =	simm.s32 @p1 $0x1;
	p0 =	seq.s32 s7, s2  }
0x1e: {  	s7 =	smul.u32 @!p0 $0xF7A, s2;
	p2 =	seq.s32 @!p0 s5, $0x0  }
0x1f: {  	s9 =	smul.u32 $0xF7A, s1;
	s8 =	simm.s32 @!p0 $0x1BF5;
	p2 =	por !p2, p0  }
0x20: {  	[sflag:s8] =	ssyncset.s32 @!p0 $0xFFFFF086;
	s6 =	sadd.s32 @!p0 s3, s7;
	s7 =	simm.s32 @!p0 $0x108  }
0x21: {  	s3 =	sadd.s32 s3, s9;
	s6 =	sadd.s32 @!p0 $0x88, s6;
	s7 =	simm.s32 @p2 $0x1082  }
0x22: {  	[simem:s7], [sflag:s8] =	dma.local @!p0 [hbm:s6], $0xF7A  }
0x23: {  	s9 =	sor.u32 $0xD0000000, s2;
	s6 =	simm.s32 $0x108;
	_ =	swait.ge @!p0 [sflag:s8], $0x0  }
0x24: {  	s3 =	sadd.s32 $0x88, s3;
	s6 =	simm.s32 @!p1 $0x1082;
	[sflag:s4] =	ssyncset.s32 $0xFFFFF086  }
0x25: {  	[simem:s6], [sflag:s4] =	dma.local [hbm:s3], $0xF7A  }
0x26: {  	[smem:$0x3F9F] =	sst s1;
	(tag) =	ssettag s2;
	_ =	strace s9  }
0x27: {  	s1 =	sld [smem:$0x3FAF]  }
0x28: {  	s2 =	sld [smem:$0x3FB0]  }
0x29: {  	s4 =	sld [smem:$0x3FB2]  }
0x2a: {  	p0 =	seq.s32 s5, $0x0;
	s5 =	sld [smem:$0x3FB3]  }
0x2b: {  	s6 =	sld [smem:$0x3FB4]  }
0x2c: {  	s7 =	sld [smem:$0x3FB5]  }
0x2d: {  	s3 =	simm.s32 $0x108;
	s8 =	sld [smem:$0x3FB6]  }
0x2e: {  	s3 =	simm.s32 @!p0 $0x1082;
	s9 =	sld [smem:$0x3FB7]  }
0x2f: {  	lr =	sadd.s32 s0, s3;
	s0 =	sld [smem:$0x3FAE]  }
0x30: {  	s3 =	sld [smem:$0x3FB1]  }
0x31: {  	[smem:$0x3FBA] =	sst s10  }
0x32: {  	s10 =	sld [smem:$0x3FB8];
	_ =	sdelay $0x3  }
0x33: {  	p0 =	seq.s32 s10, $0x1;
	s10 =	sld [smem:$0x3FBA];
	_ =	sdelay $0x3  }
0x34: {  	[smem:$0x3FBA] =	sst s10  }
0x35: {  	s10 =	sld [smem:$0x3FB9];
	_ =	sdelay $0x3  }
0x36: {  	p1 =	seq.s32 s10, $0x1;
	s10 =	sld [smem:$0x3FBA];
	_ =	sdelay $0x3  }
0x37: {  	[smem:$0x3FBA] =	sst s10  }
0x38: {  	s10 =	sld [smem:$0x3FBB]  }
0x39: {  	_ = 	snop;
	(pc) =	sbr.ind lr, $3  }
0x3a: {  	_ = 	snop  }
0x3b: {  	_ = 	snop  }
0x3c: {  	p2 =	seq.s32 s10, $0x1;
	s10 =	sld [smem:$0x3FBA]  }
0x3d: {  	_ =	shalt  }
0x3e: {  	_ =	shalt  }
0x3f: {  	_ =	shalt  }
0x40: {  	_ =	shalt  }
0x41: {  	_ =	shalt  }
0x42: {  	_ =	shalt  }
0x43: {  	_ =	shalt  }
0x44: {  	_ =	shalt  }
0x45: {  	_ =	shalt  }
0x46: {  	_ =	shalt  }
0x47: {  	_ =	shalt  }
0x48: {  	_ =	shalt  }
0x49: {  	_ =	shalt  }
0x4a: {  	_ =	shalt  }
0x4b: {  	_ =	shalt  }
0x4c: {  	_ =	shalt  }
0x4d: {  	_ =	shalt  }
0x4e: {  	_ =	shalt  }
0x4f: {  	_ =	shalt  }
0x50: {  	_ =	shalt  }
0x51: {  	_ =	shalt  }
0x52: {  	_ =	shalt  }
0x53: {  	_ =	shalt  }
0x54: {  	_ =	shalt  }
0x55: {  	_ =	shalt  }
0x56: {  	_ =	shalt  }
0x57: {  	_ =	shalt  }
0x58: {  	_ =	shalt  }
0x59: {  	_ =	shalt  }
0x5a: {  	_ =	shalt  }
0x5b: {  	_ =	shalt  }
0x5c: {  	_ =	shalt  }
0x5d: {  	_ =	shalt  }
0x5e: {  	_ =	shalt  }
0x5f: {  	_ =	shalt  }
0x60: {  	_ =	shalt  }
0x61: {  	_ =	shalt  }
0x62: {  	_ =	shalt  }
0x63: {  	_ =	shalt  }
0x64: {  	_ =	shalt  }
0x65: {  	_ =	shalt  }
0x66: {  	_ =	shalt  }
0x67: {  	_ =	shalt  }
0x68: {  	_ =	shalt  }
0x69: {  	_ =	shalt  }
0x6a: {  	_ =	shalt  }
0x6b: {  	_ =	shalt  }
0x6c: {  	_ =	shalt  }
0x6d: {  	_ =	shalt  }
0x6e: {  	_ =	shalt  }
0x6f: {  	_ =	shalt  }
0x70: {  	_ =	shalt  }
0x71: {  	_ =	shalt  }
0x72: {  	_ =	shalt  }
0x73: {  	_ =	shalt  }
0x74: {  	_ =	shalt  }
0x75: {  	_ =	shalt  }
0x76: {  	_ =	shalt  }
0x77: {  	_ =	shalt  }
0x78: {  	_ =	shalt  }
0x79: {  	_ =	shalt  }
0x7a: {  	_ =	shalt  }
0x7b: {  	_ =	shalt  }
0x7c: {  	_ =	shalt  }
0x7d: {  	_ =	shalt  }
0x7e: {  	_ =	shalt  }
0x7f: {  	_ =	shalt  }
0x80: {  	_ =	shalt  }
0x81: {  	_ =	shalt  }
0x82: {  	_ =	shalt  }
0x83: {  	_ =	shalt  }
0x84: {  	_ =	shalt  }
0x85: {  	_ =	shalt  }
0x86: {  	_ =	shalt  }
0x87: {  	_ =	shalt  }
.Lfunc_end0:
.L_simem_size_0:
called_computation_lowered:
.L_overlay_start_0:
0x88: {  	s2 =	sld [smem:$0x3FD9]  }
0x89: {  	s3 =	sld [smem:$0x3FFE];
	_ =	sdelay $0x1  }
0x8a: {  	s1 =	srdreg.scid  }
0x8b: {  	s0 =	sand.u32 $0x1, s1  }
0x8c: {  	s17 =	sshll.u32 s0, $0xA;
	s2 =	sadd.s32 s3, s2  }
0x8d: {  	s2 =	sadd.s32 s2, s17  }
0x8e: {  	[smem:$0x3FC6] =	sst s2  }
0x8f: {  	_ = 	snop  }
0x90: {  	s2 =	sld [smem:$0x3FC9]  }
0x91: {  	s18 =	sld [smem:$0x3FD0];
	(tm) =	ssettm $0x1  }
0x92: {  	s4 =	sld [smem:$0x3FFB];
	_ =	sdelay $0x3  }
0x93: {  	_ =	strace s4  }
0x94: {  	s4 =	sld [smem:$0x3FFC];
	_ =	sdelay $0x3  }
0x95: {  	_ =	strace s4  }
0x96: {  	s4 =	sld [smem:$0x3FFD];
	_ =	sdelay $0x3  }
0x97: {  	_ =	strace s4  }
0x98: {  	_ =	strace $0x8FFFFFFF  }
0x99: {  	s19 =	sld [smem:$0x3FDB];
	_ =	sdelay $0x1  }
0x9a: {  	s5 =	simm.s32 $_scs_section_size  }
0x9b: {  	s6 =	simm.s32 $_size__tile_overlayer_lowered;
	s7 =	simm.s32 $_tile_overlayer_lowered  }
0x9c: {  	s22 =	simm.s32 $0x1BFF;
	s21 =	sshll.u32 s7, $0x1;
	s4 =	sadd.s32 s5, s19  }
0x9d: {  	s8 =	simm.s32 $0x0;
	s20 =	sshll.u32 s6, $0x1;
	s6 =	sadd.s32 s21, s4  }
0x9e: {  	[timem:s8], [sflag:s22] =	dma.local [hbm:s6], s20  }
0x9f: {  	_ =	swait.ge [sflag:s22], s20  }
0xa0: {  	s5 =	ssub.s32 $0x0, s20;
	[sflag:s22] =	ssyncset.done $0x0  }
0xa1: {  	[sflag:s22] =	ssyncadd.s32 s5;
	_ =	sdelay $0x1  }
0xa2: {  	s23 =	simm.s32 $0x1B8B  }
0xa3: {  	_ =	swait.ge [sflag:s23], $0x1  }
0xa4: {  	[sflag:s23] =	ssyncset.done $0x0  }
0xa5: {  	s25 =	simm.s32 $0x1B8E;
	s24 =	sld [smem:$0x3FFE];
	[sflag:s23] =	ssyncadd.s32 $0xFFFFFFFF  }
0xa6: {  	s26 =	simm.s32 $execute0_lowered;
	[smem:$0x3FD2] =	sst s25  }
0xa7: {  	s6 =	sshll.u32 s26, $0x1;
	_ =	strace $0x80000046;
	[dreg:$0x1] =	wrdreg $0xFFFFFFFF  }
0xa8: {  	s28 =	simm.s32 $_size_execute0_lowered;
	s4 =	sadd.s32 s4, s6;
	[dreg:$0x0] =	wrdreg $0x0  }
0xa9: {  	s6 =	sshll.u32 s28, $0x1;
	[dreg:$0x2] =	wrdreg s4  }
0xaa: {  	[dreg:$0x3] =	wrdreg s6  }
0xab: {  	[dreg:$0x4] =	wrdreg $0xC0  }
0xac: {  	_ =	task [dreg:s8], $0x5FFFF  }
0xad: {  	[dreg:$0x1] =	wrdreg $0xFFFFFFFF  }
0xae: {  	[dreg:$0x0] =	wrdreg $0x60  }
0xaf: {  	[dreg:$0x2] =	wrdreg s2  }
0xb0: {  	[dreg:$0x3] =	wrdreg s24  }
0xb1: {  	[dreg:$0x4] =	wrdreg s18  }
0xb2: {  	[dreg:$0x5] =	wrdreg $0x9  }
0xb3: {  	_ =	task.clear_ibuf [dreg:s8], $0x6FFFF;
	_ =	strace $0x90000046  }
0xb4: {  	s29 =	simm.s32 $0x9;
	_ =	strace $0x80000048  }
0xb5: {  	_ =	swait.ge [sflag:s29], $0x1  }
0xb6: {  	[sflag:s29] =	ssyncadd.s32 $0xFFFFFFFF  }
0xb7: {  	_ =	strace $0x90000048  }
0xb8: {  	_ =	sfence  }
0xb9: {  	s30 =	sld [smem:$0x0];
	_ =	sdelay $0x2  }
0xba: {  	s31 =	sshll.u32 s1, $0xD;
	s1 =	sshrl.u32 s1, $0x2  }
0xbb: {  	s3 =	sand.u32 $0x4000, s31;
	s1 =	sadd.s32 s1, s30  }
0xbc: {  	s0 =	sor.u32 s3, s0;
	s1 =	sshll.u32 s1, $0x11  }
0xbd: {  	s0 =	sor.u32 s1, s0  }
0xbe: {  	s0 =	sadd.s32 $0x8F2B, s0  }
0xbf: {  	[sflag:s0] =	ssyncadd.remote.s32 $0x1  }
0xc0: {  	_ =	sfence.sel $0xFFFF  }
0xc1: {  	[dreg:$0x0] =	wrdreg $0xFFFFFFFF;
	(pc) =	sbr.abs _section_cstart, $3  }
0xc2: {  	[dreg:$0x1] =	wrdreg $0xFFFFFFFF  }
0xc3: {  	_ =	task.clear_ibuf [dreg:s8], $0x2FFFF;
	_ =	strace $0x9FFFFFFF  }
0xc4: {  	(tm) =	ssettm $0x7FFFFFFF  }
0xc5: {  	_ =	shalt  }
tec
execute0_lowered:
.L_overlay_start_1:
0x0: {  	(tag) =	ssettag $0x1  }
0x1: {  	s2 =	rddreg [dreg:$0x0]  }
0x2: {  	s8 =	rddreg [dreg:$0x1];
	s0 =	srdreg.scid  }
0x3: {  	s3 =	rddreg [dreg:$0x2];
	s1 =	stileid.u32;
	s4 =	simm.s32 $0x0  }
0x4: {  	s11 =	simm.s32 $0x5;
	s12 =	simm.s32 $0x100;
	s13 =	simm.s32 $0x400  }
0x5: {  	s14 =	simm.s32 $0x80;
	s15 =	simm.s32 $0x4080;
	s16 =	simm.s32 $0x1  }
0x6: {  	s17 =	simm.s32 $0x8080;
	s18 =	simm.s32 $0x2;
	s19 =	simm.s32 $0xC080  }
0x7: {  	s20 =	simm.s32 $0x3;
	s21 =	simm.s32 $0x4;
	s5 =	sand.u32 $0x1, s0  }
0x8: {  	s22 =	simm.s32 $0x0;
	s6 =	sshll.u32 s1, $0x8;
	s7 =	sshll.u32 s5, $0x7  }
0x9: {  	s0 =	rddreg [dreg:$0x3];
	s9 =	ssub.s32 $0x2, s5;
	s5 =	sor.u32 s7, s6  }
0xa: {  	[smem:$0x7FF] =	sst s4;
	s31 =	sshrl.u32 s9, $0x1;
	s6 =	sshll.u32 s5, $0xA  }
0xb: {  	s8 =	sadd.s32 $0x600, s8;
	s10 =	ssub.s32 s9, s31;
	s7 =	sadd.s32 s2, s6  }
0xc: {  	_ =	strace $0x80000047;
	s10 =	smax.u32 s10, $0x1;
	s9 =	sadd.s32 $0x20, s7  }
.LBB2_1:
0xd: {  	[tilespmem:s4], [sflag:$0x5] =	stream.linear.gather [hbm4b:s8+s4], $0x80, $0x38;
	[tilespmem:$0x10080] =	vst v63  }
0xe: {  	_ =	swait.ge [sflag:s11], $0x80  }
0xf: {  	[sflag:s11] =	ssyncset.done $0x0  }
0x10: {  	[sflag:s11] =	ssyncadd.s32 $0xFFFFFF80  }
0x11: {  	v0 =	vld [tilespmem:$0x0]  }
0x12: {  	v1 =	vld [tilespmem:$0x10]  }
0x13: {  	v2 =	vld [tilespmem:$0x20];
	_ =	sdelay $0x1  }
0x14: {  	[tilespmem:s14], [sflag:$0x1] =	stream.strided.gather [hbm4b:s7+s12], $0x4000, s13, s12, $0x38;
	[tilespmem:$0x10080] =	vst v63  }
0x15: {  	s23 =	simm.s32 $0x0  }
0x16: {  	[tilespmem:s15], [sflag:$0x2] =	stream.strided.gather [hbm4b:s9+s12], $0x4000, s13, s12, $0x38;
	[tilespmem:$0x10080] =	vst v63  }
.LBB2_2:
0x17: {  	_ =	swait.ge [sflag:s16], $0x4000  }
0x18: {  	p1 =	seq.s32 s23, $0x0;
	[sflag:s16] =	ssyncset.done $0x0  }
0x19: {  	s24 =	simm.s32 @!p1 $0x3;
	[sflag:s16] =	ssyncadd.s32 $0xFFFFC000  }
0x1a: {  	_ =	swait.ge @!p1 [sflag:s24], $0x4000  }
0x1b: {  	[sflag:s24] =	ssyncset.done @!p1 $0x0  }
0x1c: {  	s26 =	simm.s32 $0x100;
	[sflag:s24] =	ssyncadd.s32 @!p1 $0xFFFFC000  }
0x1d: {  	v3 =	vld [tilespmem:s26+$0xFFFFFFF0]  }
0x1e: {  	v4 =	vld [tilespmem:s26+$0xFFFFFF90]  }
0x1f: {  	v5 =	vld [tilespmem:s26+$0xFFFFFFA0]  }
0x20: {  	v6 =	vld [tilespmem:s26+$0xFFFFFFB0]  }
0x21: {  	v7 =	vld [tilespmem:s26+$0xFFFFFFC0]  }
0x22: {  	v8 =	vld [tilespmem:s26+$0xFFFFFFD0];
	vm0 =	vgt.f32 v3, v2  }
0x23: {  	s25 =	simm.s32 $0x8100;
	vm1 =	vgt.f32 v4, v2;
	v4 =	vld [tilespmem:s26+$0xFFFFFFE0];
	v3 =	vsel vm0, v1, v0  }
0x24: {  	v9 =	vld [tilespmem:s26+$0xFFFFFF80];
	v10 =	vsel vm1, v1, v0;
	vm0 =	vgt.f32 v5, v2;
	[tilespmem:s25+$0xFFFFFFF0] =	vst v3  }
0x25: {  	[tilespmem:s25+$0xFFFFFF90] =	vst v10;
	v3 =	vsel vm0, v1, v0;
	vm0 =	vgt.f32 v6, v2;
	v6 =	vld [tilespmem:s26+$0x70]  }
0x26: {  	v10 =	vld [tilespmem:s26+$0x10];
	[tilespmem:s25+$0xFFFFFFA0] =	vst v3;
	v3 =	vsel vm0, v1, v0;
	vm0 =	vgt.f32 v7, v2  }
0x27: {  	v11 =	vld [tilespmem:s26+$0x20];
	[tilespmem:s25+$0xFFFFFFB0] =	vst v3;
	v5 =	vsel vm0, v1, v0;
	vm0 =	vgt.f32 v8, v2  }
0x28: {  	v3 =	vld [tilespmem:s26+$0x30];
	[tilespmem:s25+$0xFFFFFFC0] =	vst v5;
	v5 =	vsel vm0, v1, v0;
	vm0 =	vgt.f32 v4, v2  }
0x29: {  	vm1 =	vgt.f32 v9, v2;
	v4 =	vld [tilespmem:s26+$0x40];
	[tilespmem:s25+$0xFFFFFFD0] =	vst v5;
	v7 =	vsel vm0, v1, v0  }
0x2a: {  	v8 =	vsel vm1, v1, v0;
	v5 =	vld [tilespmem:s26+$0x50];
	[tilespmem:s25+$0xFFFFFFE0] =	vst v7;
	vm0 =	vgt.f32 v6, v2  }
0x2b: {  	[tilespmem:s25+$0xFFFFFF80] =	vst v8;
	vm1 =	vgt.f32 v10, v2;
	v6 =	vld [tilespmem:s26+$0x60];
	v9 =	vsel vm0, v1, v0  }
0x2c: {  	s24 =	simm.s32 $0x0;
	v7 =	vld [tilespmem:s26+$0x0];
	s26 =	simm.s32 $0x200;
	v8 =	vsel vm1, v1, v0;
	vm0 =	vgt.f32 v11, v2;
	[tilespmem:s25+$0x70] =	vst v9  }
.LBB2_3:
0x2d: {  	v9 =	vld [tilespmem:s26+$0xFFFFFFF0];
	s24 =	sadd.s32 $0x80, s24;
	[tilespmem:s25+$0x10] =	vst v8;
	v8 =	vsel vm0, v1, v0;
	vm0 =	vgt.f32 v3, v2  }
0x2e: {  	v3 =	vld [tilespmem:s26+$0xFFFFFF90];
	p0 =	slt.u32 s24, $0x1F80;
	[tilespmem:s25+$0x20] =	vst v8;
	v8 =	vsel vm0, v1, v0;
	vm0 =	vgt.f32 v4, v2  }
0x2f: {  	v4 =	vld [tilespmem:s26+$0xFFFFFFA0];
	[tilespmem:s25+$0x30] =	vst v8;
	v8 =	vsel vm0, v1, v0;
	vm0 =	vgt.f32 v5, v2  }
0x30: {  	v5 =	vld [tilespmem:s26+$0xFFFFFFB0];
	[tilespmem:s25+$0x40] =	vst v8;
	v8 =	vsel vm0, v1, v0;
	vm0 =	vgt.f32 v6, v2  }
0x31: {  	v6 =	vld [tilespmem:s26+$0xFFFFFFC0];
	vm1 =	vgt.f32 v7, v2;
	[tilespmem:s25+$0x50] =	vst v8;
	v7 =	vsel vm0, v1, v0  }
0x32: {  	v8 =	vld [tilespmem:s26+$0xFFFFFFD0];
	vm0 =	vgt.f32 v9, v2;
	v9 =	vsel vm1, v1, v0;
	[tilespmem:s25+$0x60] =	vst v7  }
0x33: {  	vm1 =	vgt.f32 v3, v2;
	v7 =	vld [tilespmem:s26+$0xFFFFFFE0];
	v3 =	vsel vm0, v1, v0;
	[tilespmem:s25+$0x0] =	vst v9;
	s25 =	sadd.s32 $0x100, s25  }
0x34: {  	v9 =	vld [tilespmem:s26+$0xFFFFFF80];
	v10 =	vsel vm1, v1, v0;
	vm0 =	vgt.f32 v4, v2;
	[tilespmem:s25+$0xFFFFFFF0] =	vst v3  }
0x35: {  	[tilespmem:s25+$0xFFFFFF90] =	vst v10;
	v3 =	vsel vm0, v1, v0;
	vm0 =	vgt.f32 v5, v2;
	v10 =	vld [tilespmem:s26+$0x70]  }
0x36: {  	v11 =	vld [tilespmem:s26+$0x10];
	[tilespmem:s25+$0xFFFFFFA0] =	vst v3;
	v3 =	vsel vm0, v1, v0;
	vm0 =	vgt.f32 v6, v2  }
0x37: {  	v12 =	vld [tilespmem:s26+$0x20];
	[tilespmem:s25+$0xFFFFFFB0] =	vst v3;
	v4 =	vsel vm0, v1, v0;
	vm0 =	vgt.f32 v8, v2  }
.Ltmp0:
0x38: {  	v3 =	vld [tilespmem:s26+$0x30];
	[tilespmem:s25+$0xFFFFFFC0] =	vst v4;
	v5 =	vsel vm0, v1, v0;
	vm0 =	vgt.f32 v7, v2;
	(pc) =	sbr.rel @p0 .LBB2_3-.Ltmp0, $4  }
0x39: {  	vm1 =	vgt.f32 v9, v2;
	v4 =	vld [tilespmem:s26+$0x40];
	[tilespmem:s25+$0xFFFFFFD0] =	vst v5;
	v6 =	vsel vm0, v1, v0  }
0x3a: {  	v7 =	vsel vm1, v1, v0;
	v5 =	vld [tilespmem:s26+$0x50];
	[tilespmem:s25+$0xFFFFFFE0] =	vst v6;
	vm0 =	vgt.f32 v10, v2  }
0x3b: {  	[tilespmem:s25+$0xFFFFFF80] =	vst v7;
	vm1 =	vgt.f32 v11, v2;
	v6 =	vld [tilespmem:s26+$0x60];
	v9 =	vsel vm0, v1, v0  }
0x3c: {  	v7 =	vld [tilespmem:s26+$0x0];
	v8 =	vsel vm1, v1, v0;
	vm0 =	vgt.f32 v12, v2;
	[tilespmem:s25+$0x70] =	vst v9;
	s26 =	sadd.s32 $0x100, s26  }
0x3d: {  	p0 =	seq.s32 s23, $0x1F;
	[tilespmem:s25+$0x10] =	vst v8;
	v8 =	vsel vm0, v1, v0;
	vm0 =	vgt.f32 v3, v2  }
0x3e: {  	s24 =	sshll.u32 @!p0 s23, $0x2;
	[tilespmem:s25+$0x20] =	vst v8;
	v3 =	vsel vm0, v1, v0;
	vm0 =	vgt.f32 v4, v2  }
0x3f: {  	s26 =	sadd.s32 @!p0 $0x4, s24;
	[tilespmem:s25+$0x30] =	vst v3;
	v3 =	vsel vm0, v1, v0;
	vm0 =	vgt.f32 v5, v2  }
0x40: {  	s28 =	sadd.s32 @!p0 s5, s26;
	s26 =	sshll.u32 @!p0 s26, $0x4;
	[tilespmem:s25+$0x40] =	vst v3;
	v3 =	vsel vm0, v1, v0;
	vm0 =	vgt.f32 v6, v2  }
0x41: {  	s28 =	sshll.u32 @!p0 s28, $0xA;
	s26 =	sand.u32 @!p0 $0x40, s26;
	vm1 =	vgt.f32 v7, v2;
	[tilespmem:s25+$0x50] =	vst v3;
	v3 =	vsel vm0, v1, v0  }
0x42: {  	s29 =	simm.s32 @!p0 $0x80;
	s28 =	sand.u32 @!p0 $0x7FE000, s28;
	s26 =	sadd.s32 @!p0 s2, s26;
	v4 =	vsel vm1, v1, v0;
	[tilespmem:s25+$0x60] =	vst v3  }
0x43: {  	s26 =	sadd.s32 @!p0 s28, s26;
	[tilespmem:s25+$0x0] =	vst v4;
	s25 =	simm.s32 @!p0 $0x100;
	s28 =	simm.s32 @!p0 $0x400  }
0x44: {  	[tilespmem:s29], [sflag:$0x1] =	stream.strided.gather @!p0 [hbm4b:s26+s25], $0x4000, s28, s25, $0x38;
	[tilespmem:$0x10080] =	vst v63  }
0x45: {  	s31 =	sshll.u32 s23, $0x6;
	s26 =	sshll.u32 s23, $0xC  }
0x46: {  	s25 =	sand.u32 $0x1E000, s26;
	s26 =	sand.u32 $0x40, s31  }
0x47: {  	s25 =	sor.u32 s6, s25;
	s28 =	sadd.s32 s3, s26  }
0x48: {  	s28 =	sadd.s32 s25, s28  }
0x49: {  	[hbm4b:s28+s12] =	stream.strided.scatter [tilespmem:s17], [sflag:$0x3], $0x4000, s13, s12, $0x38;
	[tilespmem:$0x10080] =	vst v63  }
0x4a: {  	_ =	swait.ge [sflag:s18], $0x4000  }
0x4b: {  	[sflag:s18] =	ssyncset.done $0x0  }
0x4c: {  	s28 =	simm.s32 @!p1 $0x4;
	[sflag:s18] =	ssyncadd.s32 $0xFFFFC000  }
0x4d: {  	_ =	swait.ge @!p1 [sflag:s28], $0x4000  }
0x4e: {  	[sflag:s28] =	ssyncset.done @!p1 $0x0  }
0x4f: {  	s30 =	simm.s32 $0x4100;
	[sflag:s28] =	ssyncadd.s32 @!p1 $0xFFFFC000  }
0x50: {  	v3 =	vld [tilespmem:s30+$0xFFFFFFF0]  }
0x51: {  	v4 =	vld [tilespmem:s30+$0xFFFFFF90]  }
0x52: {  	v5 =	vld [tilespmem:s30+$0xFFFFFFA0]  }
0x53: {  	v6 =	vld [tilespmem:s30+$0xFFFFFFB0]  }
0x54: {  	v7 =	vld [tilespmem:s30+$0xFFFFFFC0]  }
0x55: {  	v8 =	vld [tilespmem:s30+$0xFFFFFFD0];
	vm0 =	vgt.f32 v3, v2  }
0x56: {  	s28 =	simm.s32 $0xC100;
	vm1 =	vgt.f32 v4, v2;
	v4 =	vld [tilespmem:s30+$0xFFFFFFE0];
	v3 =	vsel vm0, v1, v0  }
0x57: {  	v9 =	vld [tilespmem:s30+$0xFFFFFF80];
	v10 =	vsel vm1, v1, v0;
	vm0 =	vgt.f32 v5, v2;
	[tilespmem:s28+$0xFFFFFFF0] =	vst v3  }
0x58: {  	[tilespmem:s28+$0xFFFFFF90] =	vst v10;
	v3 =	vsel vm0, v1, v0;
	vm0 =	vgt.f32 v6, v2;
	v6 =	vld [tilespmem:s30+$0x70]  }
0x59: {  	v10 =	vld [tilespmem:s30+$0x10];
	[tilespmem:s28+$0xFFFFFFA0] =	vst v3;
	v3 =	vsel vm0, v1, v0;
	vm0 =	vgt.f32 v7, v2  }
0x5a: {  	v11 =	vld [tilespmem:s30+$0x20];
	[tilespmem:s28+$0xFFFFFFB0] =	vst v3;
	v5 =	vsel vm0, v1, v0;
	vm0 =	vgt.f32 v8, v2  }
0x5b: {  	v3 =	vld [tilespmem:s30+$0x30];
	[tilespmem:s28+$0xFFFFFFC0] =	vst v5;
	v5 =	vsel vm0, v1, v0;
	vm0 =	vgt.f32 v4, v2  }
0x5c: {  	vm1 =	vgt.f32 v9, v2;
	v4 =	vld [tilespmem:s30+$0x40];
	[tilespmem:s28+$0xFFFFFFD0] =	vst v5;
	v7 =	vsel vm0, v1, v0  }
0x5d: {  	v8 =	vsel vm1, v1, v0;
	v5 =	vld [tilespmem:s30+$0x50];
	[tilespmem:s28+$0xFFFFFFE0] =	vst v7;
	vm0 =	vgt.f32 v6, v2  }
0x5e: {  	[tilespmem:s28+$0xFFFFFF80] =	vst v8;
	vm1 =	vgt.f32 v10, v2;
	v6 =	vld [tilespmem:s30+$0x60];
	v9 =	vsel vm0, v1, v0  }
0x5f: {  	s29 =	simm.s32 $0x0;
	v7 =	vld [tilespmem:s30+$0x0];
	s30 =	simm.s32 $0x4200;
	v8 =	vsel vm1, v1, v0;
	vm0 =	vgt.f32 v11, v2;
	[tilespmem:s28+$0x70] =	vst v9  }
.LBB2_5:
0x60: {  	v9 =	vld [tilespmem:s30+$0xFFFFFFF0];
	s29 =	sadd.s32 $0x80, s29;
	[tilespmem:s28+$0x10] =	vst v8;
	v8 =	vsel vm0, v1, v0;
	vm0 =	vgt.f32 v3, v2  }
0x61: {  	v3 =	vld [tilespmem:s30+$0xFFFFFF90];
	p1 =	slt.u32 s29, $0x1F80;
	[tilespmem:s28+$0x20] =	vst v8;
	v8 =	vsel vm0, v1, v0;
	vm0 =	vgt.f32 v4, v2  }
0x62: {  	v4 =	vld [tilespmem:s30+$0xFFFFFFA0];
	[tilespmem:s28+$0x30] =	vst v8;
	v8 =	vsel vm0, v1, v0;
	vm0 =	vgt.f32 v5, v2  }
0x63: {  	v5 =	vld [tilespmem:s30+$0xFFFFFFB0];
	[tilespmem:s28+$0x40] =	vst v8;
	v8 =	vsel vm0, v1, v0;
	vm0 =	vgt.f32 v6, v2  }
0x64: {  	v6 =	vld [tilespmem:s30+$0xFFFFFFC0];
	vm1 =	vgt.f32 v7, v2;
	[tilespmem:s28+$0x50] =	vst v8;
	v7 =	vsel vm0, v1, v0  }
0x65: {  	v8 =	vld [tilespmem:s30+$0xFFFFFFD0];
	vm0 =	vgt.f32 v9, v2;
	v9 =	vsel vm1, v1, v0;
	[tilespmem:s28+$0x60] =	vst v7  }
0x66: {  	vm1 =	vgt.f32 v3, v2;
	v7 =	vld [tilespmem:s30+$0xFFFFFFE0];
	v3 =	vsel vm0, v1, v0;
	[tilespmem:s28+$0x0] =	vst v9;
	s28 =	sadd.s32 $0x100, s28  }
0x67: {  	v9 =	vld [tilespmem:s30+$0xFFFFFF80];
	v10 =	vsel vm1, v1, v0;
	vm0 =	vgt.f32 v4, v2;
	[tilespmem:s28+$0xFFFFFFF0] =	vst v3  }
0x68: {  	[tilespmem:s28+$0xFFFFFF90] =	vst v10;
	v3 =	vsel vm0, v1, v0;
	vm0 =	vgt.f32 v5, v2;
	v10 =	vld [tilespmem:s30+$0x70]  }
0x69: {  	v11 =	vld [tilespmem:s30+$0x10];
	[tilespmem:s28+$0xFFFFFFA0] =	vst v3;
	v3 =	vsel vm0, v1, v0;
	vm0 =	vgt.f32 v6, v2  }
0x6a: {  	v12 =	vld [tilespmem:s30+$0x20];
	[tilespmem:s28+$0xFFFFFFB0] =	vst v3;
	v4 =	vsel vm0, v1, v0;
	vm0 =	vgt.f32 v8, v2  }
.Ltmp1:
0x6b: {  	v3 =	vld [tilespmem:s30+$0x30];
	[tilespmem:s28+$0xFFFFFFC0] =	vst v4;
	v5 =	vsel vm0, v1, v0;
	vm0 =	vgt.f32 v7, v2;
	(pc) =	sbr.rel @p1 .LBB2_5-.Ltmp1, $4  }
0x6c: {  	vm1 =	vgt.f32 v9, v2;
	v4 =	vld [tilespmem:s30+$0x40];
	[tilespmem:s28+$0xFFFFFFD0] =	vst v5;
	v6 =	vsel vm0, v1, v0  }
0x6d: {  	v7 =	vsel vm1, v1, v0;
	v5 =	vld [tilespmem:s30+$0x50];
	[tilespmem:s28+$0xFFFFFFE0] =	vst v6;
	vm0 =	vgt.f32 v10, v2  }
0x6e: {  	[tilespmem:s28+$0xFFFFFF80] =	vst v7;
	vm1 =	vgt.f32 v11, v2;
	v6 =	vld [tilespmem:s30+$0x60];
	v9 =	vsel vm0, v1, v0  }
0x6f: {  	v7 =	vld [tilespmem:s30+$0x0];
	v8 =	vsel vm1, v1, v0;
	vm0 =	vgt.f32 v12, v2;
	[tilespmem:s28+$0x70] =	vst v9;
	s30 =	sadd.s32 $0x100, s30  }
0x70: {  	[tilespmem:s28+$0x10] =	vst v8;
	v62 =	vsel vm0, v1, v0;
	vm12 =	vgt.f32 v3, v2  }
0x71: {  	[tilespmem:s28+$0x20] =	vst v62;
	v3 =	vsel vm12, v1, v0;
	vm13 =	vgt.f32 v4, v2  }
0x72: {  	s24 =	sadd.s32 @!p0 $0x6, s24;
	[tilespmem:s28+$0x30] =	vst v3;
	v3 =	vsel vm13, v1, v0;
	vm14 =	vgt.f32 v5, v2  }
0x73: {  	s29 =	sadd.s32 @!p0 s5, s24;
	s24 =	sshll.u32 @!p0 s24, $0x4;
	[tilespmem:s28+$0x40] =	vst v3;
	v3 =	vsel vm14, v1, v0;
	vm15 =	vgt.f32 v6, v2  }
0x74: {  	s30 =	simm.s32 @!p0 $0x4080;
	s29 =	sshll.u32 @!p0 s29, $0xA;
	s24 =	sand.u32 @!p0 $0x60, s24;
	vm1 =	vgt.f32 v7, v2;
	[tilespmem:s28+$0x50] =	vst v3;
	v3 =	vsel vm15, v1, v0  }
0x75: {  	s23 =	sadd.s32 $0x1, s23;
	s29 =	sand.u32 @!p0 $0x7FE000, s29;
	s24 =	sadd.s32 @!p0 s2, s24;
	v63 =	vsel vm1, v1, v0;
	[tilespmem:s28+$0x60] =	vst v3  }
0x76: {  	s24 =	sadd.s32 @!p0 s29, s24;
	s29 =	simm.s32 @!p0 $0x400;
	[tilespmem:s28+$0x0] =	vst v63;
	s28 =	simm.s32 @!p0 $0x100  }
0x77: {  	[tilespmem:s30], [sflag:$0x2] =	stream.strided.gather @!p0 [hbm4b:s24+s28], $0x4000, s29, s28, $0x38;
	[tilespmem:$0x10080] =	vst v63  }
0x78: {  	p0 =	sne.s32 s23, $0x20  }
.Ltmp2:
0x79: {  	_ = 	snop;
	(pc) =	sbr.rel @p0 .LBB2_2-.Ltmp2, $4  }
0x7a: {  	s31 =	sadd.s32 s26, s3  }
0x7b: {  	s24 =	sadd.s32 s25, s31  }
0x7c: {  	s24 =	sadd.s32 $0x20, s24  }
0x7d: {  	[hbm4b:s24+s12] =	stream.strided.scatter [tilespmem:s19], [sflag:$0x4], $0x4000, s13, s12, $0x38;
	[tilespmem:$0x10080] =	vst v63  }
0x7e: {  	s22 =	sadd.s32 $0x1, s22  }
0x7f: {  	_ =	swait.ge [sflag:s20], $0x4000;
	p0 =	sne.s32 s22, s10  }
.Ltmp3:
0x80: {  	[sflag:s20] =	ssyncset.done $0x0;
	(pc) =	sbr.rel @p0 .LBB2_1-.Ltmp3, $4  }
0x81: {  	[sflag:s20] =	ssyncadd.s32 $0xFFFFC000  }
0x82: {  	_ =	swait.ge [sflag:s21], $0x4000  }
0x83: {  	[sflag:s21] =	ssyncset.done $0x0  }
0x84: {  	[sflag:s21] =	ssyncadd.s32 $0xFFFFC000  }
0x85: {  	_ =	sfence.sel $0x180000  }
0x86: {  	[bflag:$0x0] =	sbarrier.arrive $0xFFFF  }
0x87: {  	p0 =	sne.s32 s1, $0x0;
	_ =	strace $0x90000047  }
0x88: {  	s0 =	sadd.s32 @!p0 $0x100000, s0;
	[bflag:$0x2] =	sbarrier.arrive $0xFFFF  }
0x89: {  	[sflag:s0] =	ssyncadd.tile.s32 @!p0 $0x1;
	_ =	shalt  }
.Lfunc_end2:
_tile_overlayer_lowered:
.L_overlay_start_2:
0x8a: {  	(tag) =	ssettag $0x2  }
0x8b: {  	s0 =	rddreg [dreg:$0x0];
	s2 =	stileid.u32  }
0x8c: {  	s1 =	rddreg [dreg:$0x1];
	p0 =	sne.s32 s2, $0x0  }
0x8d: {  	s3 =	rddreg [dreg:$0x2];
	[bflag:$0x3] =	sbarrier.arrive $0xFFFF;
	s2 =	simm.s32 @!p0 $0x1C05  }
0x8e: {  	[timem:s3], [sflag:s2] =	dma.local @!p0 [hbm:s0], s1  }
0x8f: {  	s0 =	simm.s32 @!p0 $0x5  }
0x90: {  	_ =	swait.ge @!p0 [sflag:s0], s1  }
0x91: {  	s1 =	ssub.s32 @!p0 $0x0, s1;
	[sflag:s0] =	ssyncset.done @!p0 $0x0  }
0x92: {  	[sflag:s0] =	ssyncadd.s32 @!p0 s1  }
0x93: {  	[bflag:$0x3] =	sbarrier.arrive $0xFFFF  }
0x94: {  	_ =	shalt  }

</sc_bundles>
